<compile_context>
chip_gen: v7x
topology: tpu7x:2x2x1
jax: 0.10.2.dev20260603
libtpu: 0.0.44.dev20260713+nightly
codegen_flags: <defaults>
</compile_context>

<pallas_src>
import jax
import jax.numpy as jnp
from jax import lax
from jax.experimental import pallas as pl
from jax.experimental.pallas import tpu as pltpu
from jax.experimental.pallas import tpu_sc as plsc

N = 100000
C = 32
SUMNP = 1600000
NCLUST = 4096
FULLSCALE = 14.0
SCALE = 50.0

NW = 32
CPW = NCLUST // NW
SPW = SUMNP // NW
CH = 128
W2 = 400
NST = SPW // W2
BIG = 3.0e38

_mesh = plsc.VectorSubcoreMesh(core_axis_name="c", subcore_axis_name="s")
_cparams = pltpu.CompilerParams(use_tc_tiling_on_sc=False,
                                needs_layout_passes=False)


def _wid():
    return lax.axis_index("s") * 2 + lax.axis_index("c")


def _stats_body(pidx_hbm, coords_hbm, off_hbm, stats_hbm,
                off_v, idx_v, rows_v, stats_v, sem):
    w = _wid()
    cbase = w * CPW
    pltpu.sync_copy(off_hbm.at[pl.ds(cbase, CPW + 16)], off_v)

    @pl.loop(0, CPW)
    def _cluster(c):
        vv = off_v[pl.ds(c, 16)]
        start = vv[0]
        end = vv[1]
        s_al = (start // 8) * 8
        nch = (end - s_al + CH - 1) // CH

        def chunk(k, carry):
            acc_s, acc_mn, acc_mx = carry
            pos = s_al + k * CH
            pltpu.sync_copy(pidx_hbm.at[pl.ds(pos, CH)], idx_v)
            pltpu.async_copy(coords_hbm.at[idx_v], rows_v, sem).wait()
            lo = jnp.maximum(start - pos, 0)
            hi = jnp.minimum(end - pos, CH)

            def point(j, pc):
                s2, mn2, mx2 = pc
                v = rows_v[j]
                return (s2 + v, jnp.minimum(mn2, v), jnp.maximum(mx2, v))

            return lax.fori_loop(lo, hi, point, (acc_s, acc_mn, acc_mx))

        init = (jnp.zeros((16,), jnp.float32),
                jnp.full((16,), BIG, jnp.float32),
                jnp.full((16,), -BIG, jnp.float32))
        acc_s, acc_mn, acc_mx = lax.fori_loop(0, nch, chunk, init)
        stats_v[c, pl.ds(0, 16)] = acc_s
        stats_v[c, pl.ds(16, 16)] = acc_mn
        stats_v[c, pl.ds(32, 16)] = acc_mx

    pltpu.sync_copy(stats_v, stats_hbm.at[pl.ds(cbase, CPW)])


@jax.jit
def _sc_stats(pidx_pad, coords_pad, off_pad):
    k = pl.kernel(
        _stats_body,
        out_type=jax.ShapeDtypeStruct((NCLUST, 48), jnp.float32),
        mesh=_mesh,
        scratch_types=[
            pltpu.VMEM((CPW + 16,), jnp.int32),
            pltpu.VMEM((CH,), jnp.int32),
            pltpu.VMEM((CH, 16), jnp.float32),
            pltpu.VMEM((CPW, 48), jnp.float32),
            pltpu.SemaphoreType.DMA,
        ],
        compiler_params=_cparams,
    )
    return k(pidx_pad, coords_pad, off_pad)


def _params_body(stats_ref, lo_ref, hi_ref, r_ref, out_ref):
    stats = stats_ref[...]
    cnt = jnp.maximum((hi_ref[...] - lo_ref[...]).astype(jnp.float32), 1.0)
    mean = stats[:, 0:3] / cnt
    cmin = stats[:, 16:19] - mean
    cmax = stats[:, 32:35] - mean
    ext = jnp.max(cmax - cmin, axis=1, keepdims=True)
    scale = jnp.minimum(1.0 / jnp.maximum(ext / FULLSCALE, 1e-6) - 0.01, SCALE)
    min_xyz = cmin * scale
    max_xyz = cmax * scale
    rng = max_xyz - min_xyz
    r0 = r_ref[0:1, :]
    r1 = r_ref[1:2, :]
    off = (-min_xyz
           + jnp.maximum(FULLSCALE - rng - 0.001, 0.0) * r0
           + jnp.minimum(FULLSCALE - rng + 0.001, 0.0) * r1)
    b = off - mean * scale
    out_ref[...] = jnp.concatenate([scale, b], axis=1)


@jax.jit
def _tc_params(stats, off_lo, off_hi, r):
    return pl.pallas_call(
        _params_body,
        out_shape=jax.ShapeDtypeStruct((NCLUST, 4), jnp.float32),
    )(stats, off_lo, off_hi, r)


_QCHUNKS = ((0, 80), (80, 80), (160, 80), (240, 80), (320, 80))


def _apply_body(ic_hbm, t_hbm, p_hbm, out_hbm,
                ic0, ic1, g0, g1, o0, o1, ptab,
                sg0, sg1, so0, so1):
    ic = (ic0, ic1)
    g = (g0, g1)
    o = (o0, o1)
    sg = (sg0, sg1)
    so = (so0, so1)
    w = _wid()
    base0 = w * SPW
    pltpu.sync_copy(p_hbm, ptab)
    lane = lax.iota(jnp.int32, 16)
    sp0 = jnp.zeros((16,), jnp.int32)
    sp1 = jnp.full((16,), 1, jnp.int32)
    sp2 = jnp.full((16,), 2, jnp.int32)
    sp3 = jnp.full((16,), 3, jnp.int32)

    def fetch(s, b):
        base = base0 + s * W2
        pltpu.sync_copy(ic_hbm.at[:, pl.ds(base, W2)], ic[b])
        for q0, qn in _QCHUNKS:
            pltpu.async_copy(t_hbm.at[ic[b].at[0, pl.ds(q0, qn)]],
                             g[b].at[pl.ds(q0, qn)], sg[b])

    def drain(b):
        for q0, qn in _QCHUNKS:
            pltpu.make_async_copy(t_hbm.at[ic[b].at[0, pl.ds(q0, qn)]],
                                  g[b].at[pl.ds(q0, qn)], sg[b]).wait()

    def compute(b):
        gv = g[b]
        cv = ic[b]
        ov = o[b]

        @plsc.parallel_loop(0, W2 // 16, unroll=2)
        def _blk(q):
            j = q * 16
            rows35 = (j + lane) * 35
            cids = cv[1, pl.ds(j, 16)]
            s = plsc.load_gather(ptab, [cids, sp0])
            b0 = plsc.load_gather(ptab, [cids, sp1])
            b1 = plsc.load_gather(ptab, [cids, sp2])
            b2 = plsc.load_gather(ptab, [cids, sp3])
            rows = j + lane
            cx = plsc.load_gather(gv, [rows, sp0])
            cy = plsc.load_gather(gv, [rows, sp1])
            cz = plsc.load_gather(gv, [rows, sp2])
            plsc.store_scatter(ov, [rows35], cx * s + b0)
            plsc.store_scatter(ov, [rows35 + 1], cy * s + b1)
            plsc.store_scatter(ov, [rows35 + 2], cz * s + b2)

        @plsc.parallel_loop(0, W2, unroll=4)
        def _pt(j):
            f0 = gv[j, pl.ds(8, 16)]
            f1 = gv[j, pl.ds(24, 16)]
            plsc.store_scatter(ov, [j * 35 + 3 + lane], f0)
            plsc.store_scatter(ov, [j * 35 + 19 + lane], f1)

    def out_issue(s, b):
        base = base0 + s * W2
        return (pltpu.async_copy(o[b].at[pl.ds(0, W2 * 35)],
                                 out_hbm.at[pl.ds(base * 35, W2 * 35)],
                                 so[b]),)

    fetch(0, 0)
    fetch(1, 1)

    @pl.loop(0, NST // 2)
    def _pair(pr):
        s0 = 2 * pr
        drain(0)
        compute(0)
        cp0 = out_issue(s0, 0)
        fetch(s0 + 2, 0)
        drain(1)
        compute(1)
        cp1 = out_issue(s0 + 1, 1)
        fetch(s0 + 3, 1)
        for cp in cp0 + cp1:
            cp.wait()

    drain(0)
    compute(0)
    for cp in out_issue(NST - 1, 0):
        cp.wait()
    drain(1)


@jax.jit
def _sc_apply(ic, t, params):
    k = pl.kernel(
        _apply_body,
        out_type=jax.ShapeDtypeStruct((SUMNP * 35,), jnp.float32),
        mesh=_mesh,
        scratch_types=(
            [pltpu.VMEM((2, W2), jnp.int32)] * 2
            + [pltpu.VMEM((W2, 40), jnp.float32),
               pltpu.VMEM((W2, 40), jnp.float32),
               pltpu.VMEM((W2 * 35 + 16,), jnp.float32),
               pltpu.VMEM((W2 * 35 + 16,), jnp.float32),
               pltpu.VMEM((NCLUST, 4), jnp.float32)]
            + [pltpu.SemaphoreType.DMA] * 4
        ),
        compiler_params=_cparams,
    )
    return k(ic, t, params)


def kernel(feats, coords, cluster_ids, point_idxs, clusters_offset):
    z13 = jnp.zeros((N, 13), jnp.float32)
    coords_pad = jnp.concatenate([coords, z13], axis=1)
    t = jnp.concatenate([coords, jnp.zeros((N, 5), jnp.float32),
                         feats], axis=1)
    pidx = point_idxs.astype(jnp.int32)
    cid = cluster_ids.astype(jnp.int32)
    offs = clusters_offset.astype(jnp.int32)
    pidx_pad = jnp.concatenate([pidx, jnp.zeros((512,), jnp.int32)])
    cid_pad = jnp.concatenate([cid, jnp.zeros((512,), jnp.int32)])
    off_pad = jnp.concatenate(
        [offs, jnp.full((15,), SUMNP, jnp.int32)])

    stats = _sc_stats(pidx_pad, coords_pad, off_pad)
    r = jax.random.uniform(jax.random.key(42), (2, 3), dtype=jnp.float32)
    params = _tc_params(stats,
                        offs[:-1].reshape(NCLUST, 1),
                        offs[1:].reshape(NCLUST, 1), r)
    ic = jnp.stack([pidx_pad, cid_pad])
    return _sc_apply(ic, t, params).reshape(SUMNP, 35)

# --- scband reference (transcript-rebuilt; emitter-appended) ---
"""Pipeline reference for scband-seg-spgsem-leaky-52974126629692 (READ-ONLY COPY).

The authoritative reference and input builder live on the scoring server;
editing this copy changes nothing except your own understanding.
"""

import jax, jax.numpy as jnp
import numpy as np

N = 100000
C = 32
SUMNP = 1600000
NCLUST = 4096
FULLSCALE = 14.0
SCALE = 50.0


def setup_inputs(seed: int = 0) -> dict:
    key = jax.random.key(seed)
    k1, k2, k3, k4 = jax.random.split(key, 4)
    feats = jax.random.normal(k1, (N, C), dtype=jnp.float32)
    coords = jax.random.uniform(k2, (N, 3), dtype=jnp.float32) * 100.0
    base = jax.random.randint(k3, (SUMNP - NCLUST,), 0, NCLUST)
    cluster_ids = jnp.sort(jnp.concatenate([jnp.arange(NCLUST, dtype=base.dtype), base]))
    point_idxs = jax.random.randint(k4, (SUMNP,), 0, N)
    clusters_offset = jnp.searchsorted(cluster_ids, jnp.arange(NCLUST + 1)).astype(jnp.int32)
    return {
        "feats": feats,
        "coords": coords,
        "cluster_ids": cluster_ids,
        "point_idxs": point_idxs,
        "clusters_offset": clusters_offset,
    }


def reference(feats, coords, cluster_ids, point_idxs, clusters_offset):
    # Faithful JAX port of SegSPGSemLeaky.clusters_voxelization segment-reduce core:
    #   clusters_feats = feats[c_idxs]; clusters_coords = coords[c_idxs]
    #   sec_mean / sec_min / sec_max over clusters, per-cluster rescale + jittered offset.
    nC = NCLUST
    clusters_feats = jnp.take(feats, point_idxs, axis=0)
    clusters_coords = jnp.take(coords, point_idxs, axis=0)
    ones = jnp.ones((clusters_coords.shape[0],), dtype=clusters_coords.dtype)
    counts = jax.ops.segment_sum(ones, cluster_ids, num_segments=nC)
    counts = jnp.maximum(counts, 1.0)
    coords_mean = jax.ops.segment_sum(clusters_coords, cluster_ids, num_segments=nC) / counts[:, None]
    clusters_coords = clusters_coords - jnp.take(coords_mean, cluster_ids, axis=0)
    coords_min = jax.ops.segment_min(clusters_coords, cluster_ids, num_segments=nC)
    coords_max = jax.ops.segment_max(clusters_coords, cluster_ids, num_segments=nC)
    clusters_scale = 1.0 / jnp.maximum(((coords_max - coords_min) / FULLSCALE).max(axis=1), 1e-6) - 0.01
    clusters_scale = jnp.minimum(clusters_scale, SCALE)
    min_xyz = coords_min * clusters_scale[:, None]
    max_xyz = coords_max * clusters_scale[:, None]
    clusters_coords = clusters_coords * jnp.take(clusters_scale, cluster_ids)[:, None]
    rng = max_xyz - min_xyz
    r = jax.random.uniform(jax.random.key(42), (2, 3), dtype=clusters_coords.dtype)
    offset = (-min_xyz
              + jnp.clip(FULLSCALE - rng - 0.001, 0.0, None) * r[0]
              + jnp.clip(FULLSCALE - rng + 0.001, None, 0.0) * r[1])
    clusters_coords = clusters_coords + jnp.take(offset, cluster_ids, axis=0)
    return jnp.concatenate([clusters_coords, clusters_feats], axis=1)

if __name__ == "__main__":
    import jax
    _d = setup_inputs()
    print(jax.jit(kernel)(*tuple(_d.values())))

</pallas_src>

<mosaic_0001>
#map = affine_map<(d0, d1) -> (0)>
#map1 = affine_map<(d0, d1) -> (0, 0)>
module attributes {stable_mosaic.version = 14 : i64} {
  func.func @_stats_body(%arg0: i32, %arg1: i32, %arg2: memref<1600512xi32, #tpu.memory_space<hbm>>, %arg3: memref<100000x16xf32, #tpu.memory_space<hbm>>, %arg4: memref<4112xi32, #tpu.memory_space<hbm>>, %arg5: memref<4096x48xf32, #tpu.memory_space<hbm>>, %arg6: memref<144xi32, #tpu.memory_space<vmem>>, %arg7: memref<128xi32, #tpu.memory_space<vmem>>, %arg8: memref<128x16xf32, #tpu.memory_space<vmem>>, %arg9: memref<128x48xf32, #tpu.memory_space<vmem>>, %arg10: memref<!tpu.dma_semaphore, #tpu.memory_space<semaphore_mem>>) attributes {dimension_semantics = [#tpu.dimension_semantics<core_parallel>, #tpu.dimension_semantics<subcore_parallel>], iteration_bounds = array<i64: 2, 16>, scalar_prefetch = 0 : i64, scratch_operands = 5 : i64, tpu.core_type = #tpu.core_type<sc_vector_subcore>, window_params = [{transform_indices = #map}, {transform_indices = #map1}, {transform_indices = #map}, {transform_indices = #map1}]} {
    %mul3A = arith.constant 2 : i32
    %mul3A_0 = arith.muli %arg1, %mul3A : i32
    %add3A = arith.addi %mul3A_0, %arg0 : i32
    %mul3A_1 = arith.constant 128 : i32
    %mul3A_2 = arith.muli %add3A, %mul3A_1 : i32
    "tpu.region"() ({
      %run_scoped3A = tpu.sem_alloc : memref<!tpu.dma_semaphore, #tpu.memory_space<semaphore_mem>>
      %dma_start3A = tpu.memref_slice %arg4[%mul3A_2] : memref<4112xi32, #tpu.memory_space<hbm>> -> memref<144xi32, #tpu.memory_space<hbm>>
      %dma_start3A_7 = tpu.memref_slice %arg4[%mul3A_2] : memref<4112xi32, #tpu.memory_space<hbm>> -> memref<144xi32, #tpu.memory_space<hbm>>
      tpu.enqueue_dma source(%dma_start3A_7 : memref<144xi32, #tpu.memory_space<hbm>>) target(%arg6 : memref<144xi32, #tpu.memory_space<vmem>>) target_semaphore(%run_scoped3A : memref<!tpu.dma_semaphore, #tpu.memory_space<semaphore_mem>>)
      %dma_wait3A = tpu.memref_slice %arg4[%mul3A_2] : memref<4112xi32, #tpu.memory_space<hbm>> -> memref<144xi32, #tpu.memory_space<hbm>>
      %dma_wait3A_8 = tpu.memref_slice %arg4[%mul3A_2] : memref<4112xi32, #tpu.memory_space<hbm>> -> memref<144xi32, #tpu.memory_space<hbm>>
      tpu.wait_dma2 semaphore(%run_scoped3A : memref<!tpu.dma_semaphore, #tpu.memory_space<semaphore_mem>>) src(%dma_wait3A_8 : memref<144xi32, #tpu.memory_space<hbm>>) dst(%arg6 : memref<144xi32, #tpu.memory_space<vmem>>)
      tpu.yield
    }) : () -> ()
    %scan3A = arith.constant 0 : i32
    %scan3A_3 = arith.constant 128 : i32
    %scan3A_4 = arith.addi %scan3A, %scan3A_3 : i32
    %scan3A_5 = arith.constant 1 : i32
    scf.for %scan3A_7 = %scan3A to %scan3A_4 step %scan3A_5  : i32 {
      %mul3A_8 = arith.constant 1 : i32
      %mul3A_9 = arith.muli %scan3A_7, %mul3A_8 : i32
      %add3A_10 = arith.constant 0 : i32
      %add3A_11 = arith.addi %add3A_10, %mul3A_9 : i32
      %get3A = arith.index_cast %add3A_11 : i32 to index
      %get3A_12 = tpu.vector_load %arg6[%get3A] {strides = array<i32>} : memref<144xi32, #tpu.memory_space<vmem>>, vector<16xi32>,
      %slice3A = vector.extract_strided_slice %get3A_12 {offsets = [0], sizes = [1], strides = [1]} : vector<16xi32> to vector<1xi32>
      %squeeze3A = vector.extract %slice3A[0] : i32 from vector<1xi32>
      %slice3A_13 = vector.extract_strided_slice %get3A_12 {offsets = [1], sizes = [1], strides = [1]} : vector<16xi32> to vector<1xi32>
      %squeeze3A_14 = vector.extract %slice3A_13[0] : i32 from vector<1xi32>
      %jit3A = arith.constant 8 : i32
      %div3A = arith.divsi %squeeze3A, %jit3A : i32
      %sign3A = arith.constant 0 : i32
      %sign3A_15 = arith.cmpi sgt, %squeeze3A, %sign3A : i32
      %sign3A_16 = arith.extui %sign3A_15 : i1 to i32
      %sign3A_17 = arith.constant 0 : i32
      %sign3A_18 = arith.cmpi slt, %squeeze3A, %sign3A_17 : i32
      %sign3A_19 = arith.extui %sign3A_18 : i1 to i32
      %sign3A_20 = arith.subi %sign3A_16, %sign3A_19 : i32
      %sign3A_21 = arith.constant 0 : i32
      %sign3A_22 = arith.cmpi sgt, %jit3A, %sign3A_21 : i32
      %sign3A_23 = arith.extui %sign3A_22 : i1 to i32
      %sign3A_24 = arith.constant 0 : i32
      %sign3A_25 = arith.cmpi slt, %jit3A, %sign3A_24 : i32
      %sign3A_26 = arith.extui %sign3A_25 : i1 to i32
      %sign3A_27 = arith.subi %sign3A_23, %sign3A_26 : i32
      %ne3A = arith.cmpi ne, %sign3A_20, %sign3A_27 : i32
      %rem3A = arith.remsi %squeeze3A, %jit3A : i32
      %ne3A_28 = arith.constant 0 : i32
      %ne3A_29 = arith.cmpi ne, %rem3A, %ne3A_28 : i32
      %and3A = arith.andi %ne3A, %ne3A_29 : i1
      %sub3A = arith.constant 1 : i32
      %sub3A_30 = arith.subi %div3A, %sub3A : i32
      %select_n3A = arith.select %and3A, %sub3A_30, %div3A : i32
      %mul3A_31 = arith.constant 8 : i32
      %mul3A_32 = arith.muli %select_n3A, %mul3A_31 : i32
      %sub3A_33 = arith.subi %squeeze3A_14, %mul3A_32 : i32
      %add3A_34 = arith.constant 128 : i32
      %add3A_35 = arith.addi %sub3A_33, %add3A_34 : i32
      %sub3A_36 = arith.constant 1 : i32
      %sub3A_37 = arith.subi %add3A_35, %sub3A_36 : i32
      %jit3A_38 = arith.constant 128 : i32
      %div3A_39 = arith.divsi %sub3A_37, %jit3A_38 : i32
      %sign3A_40 = arith.constant 0 : i32
      %sign3A_41 = arith.cmpi sgt, %sub3A_37, %sign3A_40 : i32
      %sign3A_42 = arith.extui %sign3A_41 : i1 to i32
      %sign3A_43 = arith.constant 0 : i32
      %sign3A_44 = arith.cmpi slt, %sub3A_37, %sign3A_43 : i32
      %sign3A_45 = arith.extui %sign3A_44 : i1 to i32
      %sign3A_46 = arith.subi %sign3A_42, %sign3A_45 : i32
      %sign3A_47 = arith.constant 0 : i32
      %sign3A_48 = arith.cmpi sgt, %jit3A_38, %sign3A_47 : i32
      %sign3A_49 = arith.extui %sign3A_48 : i1 to i32
      %sign3A_50 = arith.constant 0 : i32
      %sign3A_51 = arith.cmpi slt, %jit3A_38, %sign3A_50 : i32
      %sign3A_52 = arith.extui %sign3A_51 : i1 to i32
      %sign3A_53 = arith.subi %sign3A_49, %sign3A_52 : i32
      %ne3A_54 = arith.cmpi ne, %sign3A_46, %sign3A_53 : i32
      %rem3A_55 = arith.remsi %sub3A_37, %jit3A_38 : i32
      %ne3A_56 = arith.constant 0 : i32
      %ne3A_57 = arith.cmpi ne, %rem3A_55, %ne3A_56 : i32
      %and3A_58 = arith.andi %ne3A_54, %ne3A_57 : i1
      %sub3A_59 = arith.constant 1 : i32
      %sub3A_60 = arith.subi %div3A_39, %sub3A_59 : i32
      %select_n3A_61 = arith.select %and3A_58, %sub3A_60, %div3A_39 : i32
      %broadcast_in_dim3A = arith.constant 0.000000e+00 : f32
      %broadcast_in_dim3A_62 = vector.broadcast %broadcast_in_dim3A : f32 to vector<16xf32>
      %broadcast_in_dim3A_63 = arith.constant 3.000000e+38 : f32
      %broadcast_in_dim3A_64 = vector.broadcast %broadcast_in_dim3A_63 : f32 to vector<16xf32>
      %broadcast_in_dim3A_65 = arith.constant -3.000000e+38 : f32
      %broadcast_in_dim3A_66 = vector.broadcast %broadcast_in_dim3A_65 : f32 to vector<16xf32>
      %while3A = arith.constant 0 : i32
      %while3A_67 = arith.subi %select_n3A_61, %while3A : i32
      %while3A_68 = arith.addi %while3A, %while3A_67 : i32
      %while3A_69 = arith.constant 1 : i32
      %while3A_70 = arith.divsi %while3A_67, %while3A_69 : i32
      %while3A_71 = arith.muli %while3A_70, %while3A_69 : i32
      %while3A_72 = arith.addi %while3A, %while3A_71 : i32
      %while3A_73 = arith.constant 1 : i32
      %while3A_74:3 = scf.for %while3A_85 = %while3A to %while3A_72 step %while3A_73 iter_args(%while3A_86 = %broadcast_in_dim3A_62, %while3A_87 = %broadcast_in_dim3A_64, %while3A_88 = %broadcast_in_dim3A_66) -> (vector<16xf32>, vector<16xf32>, vector<16xf32>)  : i32 {
        %mul3A_89 = arith.constant 128 : i32
        %mul3A_90 = arith.muli %while3A_85, %mul3A_89 : i32
        %add3A_91 = arith.addi %mul3A_32, %mul3A_90 : i32
        "tpu.region"() ({
          %run_scoped3A = tpu.sem_alloc : memref<!tpu.dma_semaphore, #tpu.memory_space<semaphore_mem>>
          %dma_start3A_110 = tpu.memref_slice %arg2[%add3A_91] : memref<1600512xi32, #tpu.memory_space<hbm>> -> memref<128xi32, #tpu.memory_space<hbm>>
          %dma_start3A_111 = tpu.memref_slice %arg2[%add3A_91] : memref<1600512xi32, #tpu.memory_space<hbm>> -> memref<128xi32, #tpu.memory_space<hbm>>
          tpu.enqueue_dma source(%dma_start3A_111 : memref<128xi32, #tpu.memory_space<hbm>>) target(%arg7 : memref<128xi32, #tpu.memory_space<vmem>>) target_semaphore(%run_scoped3A : memref<!tpu.dma_semaphore, #tpu.memory_space<semaphore_mem>>)
          %dma_wait3A_112 = tpu.memref_slice %arg2[%add3A_91] : memref<1600512xi32, #tpu.memory_space<hbm>> -> memref<128xi32, #tpu.memory_space<hbm>>
          %dma_wait3A_113 = tpu.memref_slice %arg2[%add3A_91] : memref<1600512xi32, #tpu.memory_space<hbm>> -> memref<128xi32, #tpu.memory_space<hbm>>
          tpu.wait_dma2 semaphore(%run_scoped3A : memref<!tpu.dma_semaphore, #tpu.memory_space<semaphore_mem>>) src(%dma_wait3A_113 : memref<128xi32, #tpu.memory_space<hbm>>) dst(%arg7 : memref<128xi32, #tpu.memory_space<vmem>>)
          tpu.yield
        }) : () -> ()
        %dma_start3A = arith.constant 0 : i32
        %dma_start3A_92 = arith.constant 0 : i32
        %dma_start3A_93 = tpu.memref_slice %arg3[%dma_start3A, %dma_start3A_92] : memref<100000x16xf32, #tpu.memory_space<hbm>> -> memref<100000x16xf32, #tpu.memory_space<hbm>>
        tpu.enqueue_indirect_dma source(%dma_start3A_93 : memref<100000x16xf32, #tpu.memory_space<hbm>>) target(%arg8 : memref<128x16xf32, #tpu.memory_space<vmem>>) offsets(%arg7 : memref<128xi32, #tpu.memory_space<vmem>>) semaphore(%arg10 : memref<!tpu.dma_semaphore, #tpu.memory_space<semaphore_mem>>)
        %dma_wait3A = arith.constant 0 : i32
        %dma_wait3A_94 = arith.constant 0 : i32
        %dma_wait3A_95 = tpu.memref_slice %arg3[%dma_wait3A, %dma_wait3A_94] : memref<100000x16xf32, #tpu.memory_space<hbm>> -> memref<100000x16xf32, #tpu.memory_space<hbm>>
        tpu.wait_indirect_dma semaphore(%arg10 : memref<!tpu.dma_semaphore, #tpu.memory_space<semaphore_mem>>) src(%dma_wait3A_95 : memref<100000x16xf32, #tpu.memory_space<hbm>>) dst(%arg8 : memref<128x16xf32, #tpu.memory_space<vmem>>)
        %sub3A_96 = arith.subi %squeeze3A, %add3A_91 : i32
        %max3A = arith.constant 0 : i32
        %max3A_97 = arith.maxsi %sub3A_96, %max3A : i32
        %sub3A_98 = arith.subi %squeeze3A_14, %add3A_91 : i32
        %min3A = arith.constant 128 : i32
        %min3A_99 = arith.minsi %sub3A_98, %min3A : i32
        %while3A_100 = arith.subi %min3A_99, %max3A_97 : i32
        %while3A_101 = arith.addi %max3A_97, %while3A_100 : i32
        %while3A_102 = arith.constant 1 : i32
        %while3A_103 = arith.divsi %while3A_100, %while3A_102 : i32
        %while3A_104 = arith.muli %while3A_103, %while3A_102 : i32
        %while3A_105 = arith.addi %max3A_97, %while3A_104 : i32
        %while3A_106 = arith.constant 1 : i32
        %while3A_107:3 = scf.for %while3A_110 = %max3A_97 to %while3A_105 step %while3A_106 iter_args(%while3A_111 = %while3A_86, %while3A_112 = %while3A_87, %while3A_113 = %while3A_88) -> (vector<16xf32>, vector<16xf32>, vector<16xf32>)  : i32 {
          %get3A_114 = arith.index_cast %while3A_110 : i32 to index
          %get3A_115 = arith.constant 0 : index
          %get3A_116 = tpu.vector_load %arg8[%get3A_114, %get3A_115] {strides = array<i32>} : memref<128x16xf32, #tpu.memory_space<vmem>>, vector<16xf32>,
          %add3A_117 = arith.addf %while3A_111, %get3A_116 : vector<16xf32>
          %min3A_118 = arith.minimumf %while3A_112, %get3A_116 : vector<16xf32>
          %max3A_119 = arith.maximumf %while3A_113, %get3A_116 : vector<16xf32>
          scf.yield %add3A_117, %min3A_118, %max3A_119 : vector<16xf32>, vector<16xf32>, vector<16xf32>
        }
        %while3A_108 = arith.constant 1 : i32
        %while3A_109:3 = scf.for %while3A_110 = %while3A_105 to %while3A_101 step %while3A_108 iter_args(%while3A_111 = %while3A_107#0, %while3A_112 = %while3A_107#1, %while3A_113 = %while3A_107#2) -> (vector<16xf32>, vector<16xf32>, vector<16xf32>)  : i32 {
          %get3A_114 = arith.index_cast %while3A_110 : i32 to index
          %get3A_115 = arith.constant 0 : index
          %get3A_116 = tpu.vector_load %arg8[%get3A_114, %get3A_115] {strides = array<i32>} : memref<128x16xf32, #tpu.memory_space<vmem>>, vector<16xf32>,
          %add3A_117 = arith.addf %while3A_111, %get3A_116 : vector<16xf32>
          %min3A_118 = arith.minimumf %while3A_112, %get3A_116 : vector<16xf32>
          %max3A_119 = arith.maximumf %while3A_113, %get3A_116 : vector<16xf32>
          scf.yield %add3A_117, %min3A_118, %max3A_119 : vector<16xf32>, vector<16xf32>, vector<16xf32>
        }
        scf.yield %while3A_109#0, %while3A_109#1, %while3A_109#2 : vector<16xf32>, vector<16xf32>, vector<16xf32>
      }
      %while3A_75 = arith.constant 1 : i32
      %while3A_76:3 = scf.for %while3A_85 = %while3A_72 to %while3A_68 step %while3A_75 iter_args(%while3A_86 = %while3A_74#0, %while3A_87 = %while3A_74#1, %while3A_88 = %while3A_74#2) -> (vector<16xf32>, vector<16xf32>, vector<16xf32>)  : i32 {
        %mul3A_89 = arith.constant 128 : i32
        %mul3A_90 = arith.muli %while3A_85, %mul3A_89 : i32
        %add3A_91 = arith.addi %mul3A_32, %mul3A_90 : i32
        "tpu.region"() ({
          %run_scoped3A = tpu.sem_alloc : memref<!tpu.dma_semaphore, #tpu.memory_space<semaphore_mem>>
          %dma_start3A_110 = tpu.memref_slice %arg2[%add3A_91] : memref<1600512xi32, #tpu.memory_space<hbm>> -> memref<128xi32, #tpu.memory_space<hbm>>
          %dma_start3A_111 = tpu.memref_slice %arg2[%add3A_91] : memref<1600512xi32, #tpu.memory_space<hbm>> -> memref<128xi32, #tpu.memory_space<hbm>>
          tpu.enqueue_dma source(%dma_start3A_111 : memref<128xi32, #tpu.memory_space<hbm>>) target(%arg7 : memref<128xi32, #tpu.memory_space<vmem>>) target_semaphore(%run_scoped3A : memref<!tpu.dma_semaphore, #tpu.memory_space<semaphore_mem>>)
          %dma_wait3A_112 = tpu.memref_slice %arg2[%add3A_91] : memref<1600512xi32, #tpu.memory_space<hbm>> -> memref<128xi32, #tpu.memory_space<hbm>>
          %dma_wait3A_113 = tpu.memref_slice %arg2[%add3A_91] : memref<1600512xi32, #tpu.memory_space<hbm>> -> memref<128xi32, #tpu.memory_space<hbm>>
          tpu.wait_dma2 semaphore(%run_scoped3A : memref<!tpu.dma_semaphore, #tpu.memory_space<semaphore_mem>>) src(%dma_wait3A_113 : memref<128xi32, #tpu.memory_space<hbm>>) dst(%arg7 : memref<128xi32, #tpu.memory_space<vmem>>)
          tpu.yield
        }) : () -> ()
        %dma_start3A = arith.constant 0 : i32
        %dma_start3A_92 = arith.constant 0 : i32
        %dma_start3A_93 = tpu.memref_slice %arg3[%dma_start3A, %dma_start3A_92] : memref<100000x16xf32, #tpu.memory_space<hbm>> -> memref<100000x16xf32, #tpu.memory_space<hbm>>
        tpu.enqueue_indirect_dma source(%dma_start3A_93 : memref<100000x16xf32, #tpu.memory_space<hbm>>) target(%arg8 : memref<128x16xf32, #tpu.memory_space<vmem>>) offsets(%arg7 : memref<128xi32, #tpu.memory_space<vmem>>) semaphore(%arg10 : memref<!tpu.dma_semaphore, #tpu.memory_space<semaphore_mem>>)
        %dma_wait3A = arith.constant 0 : i32
        %dma_wait3A_94 = arith.constant 0 : i32
        %dma_wait3A_95 = tpu.memref_slice %arg3[%dma_wait3A, %dma_wait3A_94] : memref<100000x16xf32, #tpu.memory_space<hbm>> -> memref<100000x16xf32, #tpu.memory_space<hbm>>
        tpu.wait_indirect_dma semaphore(%arg10 : memref<!tpu.dma_semaphore, #tpu.memory_space<semaphore_mem>>) src(%dma_wait3A_95 : memref<100000x16xf32, #tpu.memory_space<hbm>>) dst(%arg8 : memref<128x16xf32, #tpu.memory_space<vmem>>)
        %sub3A_96 = arith.subi %squeeze3A, %add3A_91 : i32
        %max3A = arith.constant 0 : i32
        %max3A_97 = arith.maxsi %sub3A_96, %max3A : i32
        %sub3A_98 = arith.subi %squeeze3A_14, %add3A_91 : i32
        %min3A = arith.constant 128 : i32
        %min3A_99 = arith.minsi %sub3A_98, %min3A : i32
        %while3A_100 = arith.subi %min3A_99, %max3A_97 : i32
        %while3A_101 = arith.addi %max3A_97, %while3A_100 : i32
        %while3A_102 = arith.constant 1 : i32
        %while3A_103 = arith.divsi %while3A_100, %while3A_102 : i32
        %while3A_104 = arith.muli %while3A_103, %while3A_102 : i32
        %while3A_105 = arith.addi %max3A_97, %while3A_104 : i32
        %while3A_106 = arith.constant 1 : i32
        %while3A_107:3 = scf.for %while3A_110 = %max3A_97 to %while3A_105 step %while3A_106 iter_args(%while3A_111 = %while3A_86, %while3A_112 = %while3A_87, %while3A_113 = %while3A_88) -> (vector<16xf32>, vector<16xf32>, vector<16xf32>)  : i32 {
          %get3A_114 = arith.index_cast %while3A_110 : i32 to index
          %get3A_115 = arith.constant 0 : index
          %get3A_116 = tpu.vector_load %arg8[%get3A_114, %get3A_115] {strides = array<i32>} : memref<128x16xf32, #tpu.memory_space<vmem>>, vector<16xf32>,
          %add3A_117 = arith.addf %while3A_111, %get3A_116 : vector<16xf32>
          %min3A_118 = arith.minimumf %while3A_112, %get3A_116 : vector<16xf32>
          %max3A_119 = arith.maximumf %while3A_113, %get3A_116 : vector<16xf32>
          scf.yield %add3A_117, %min3A_118, %max3A_119 : vector<16xf32>, vector<16xf32>, vector<16xf32>
        }
        %while3A_108 = arith.constant 1 : i32
        %while3A_109:3 = scf.for %while3A_110 = %while3A_105 to %while3A_101 step %while3A_108 iter_args(%while3A_111 = %while3A_107#0, %while3A_112 = %while3A_107#1, %while3A_113 = %while3A_107#2) -> (vector<16xf32>, vector<16xf32>, vector<16xf32>)  : i32 {
          %get3A_114 = arith.index_cast %while3A_110 : i32 to index
          %get3A_115 = arith.constant 0 : index
          %get3A_116 = tpu.vector_load %arg8[%get3A_114, %get3A_115] {strides = array<i32>} : memref<128x16xf32, #tpu.memory_space<vmem>>, vector<16xf32>,
          %add3A_117 = arith.addf %while3A_111, %get3A_116 : vector<16xf32>
          %min3A_118 = arith.minimumf %while3A_112, %get3A_116 : vector<16xf32>
          %max3A_119 = arith.maximumf %while3A_113, %get3A_116 : vector<16xf32>
          scf.yield %add3A_117, %min3A_118, %max3A_119 : vector<16xf32>, vector<16xf32>, vector<16xf32>
        }
        scf.yield %while3A_109#0, %while3A_109#1, %while3A_109#2 : vector<16xf32>, vector<16xf32>, vector<16xf32>
      }
      %swap3A = arith.index_cast %add3A_11 : i32 to index
      %swap3A_77 = arith.constant 0 : index
      %swap3A_78 = tpu.vector_load %arg9[%swap3A, %swap3A_77] {strides = array<i32>} : memref<128x48xf32, #tpu.memory_space<vmem>>, vector<16xf32>,
      tpu.vector_store %arg9[%swap3A, %swap3A_77], %while3A_76#0 {strides = array<i32>} : memref<128x48xf32, #tpu.memory_space<vmem>>, vector<16xf32>,
      %swap3A_79 = arith.index_cast %add3A_11 : i32 to index
      %swap3A_80 = arith.constant 16 : index
      %swap3A_81 = tpu.vector_load %arg9[%swap3A_79, %swap3A_80] {strides = array<i32>} : memref<128x48xf32, #tpu.memory_space<vmem>>, vector<16xf32>,
      tpu.vector_store %arg9[%swap3A_79, %swap3A_80], %while3A_76#1 {strides = array<i32>} : memref<128x48xf32, #tpu.memory_space<vmem>>, vector<16xf32>,
      %swap3A_82 = arith.index_cast %add3A_11 : i32 to index
      %swap3A_83 = arith.constant 32 : index
      %swap3A_84 = tpu.vector_load %arg9[%swap3A_82, %swap3A_83] {strides = array<i32>} : memref<128x48xf32, #tpu.memory_space<vmem>>, vector<16xf32>,
      tpu.vector_store %arg9[%swap3A_82, %swap3A_83], %while3A_76#2 {strides = array<i32>} : memref<128x48xf32, #tpu.memory_space<vmem>>, vector<16xf32>,
    }
    %scan3A_6 = arith.constant 128 : i32
    "tpu.region"() ({
      %run_scoped3A = tpu.sem_alloc : memref<!tpu.dma_semaphore, #tpu.memory_space<semaphore_mem>>
      %dma_start3A = arith.constant 0 : i32
      %dma_start3A_7 = tpu.memref_slice %arg5[%mul3A_2, %dma_start3A] : memref<4096x48xf32, #tpu.memory_space<hbm>> -> memref<128x48xf32, #tpu.memory_space<hbm>>
      %dma_start3A_8 = arith.constant 0 : i32
      %dma_start3A_9 = tpu.memref_slice %arg5[%mul3A_2, %dma_start3A_8] : memref<4096x48xf32, #tpu.memory_space<hbm>> -> memref<128x48xf32, #tpu.memory_space<hbm>>
      tpu.enqueue_dma source(%arg9 : memref<128x48xf32, #tpu.memory_space<vmem>>) target(%dma_start3A_9 : memref<128x48xf32, #tpu.memory_space<hbm>>) target_semaphore(%run_scoped3A : memref<!tpu.dma_semaphore, #tpu.memory_space<semaphore_mem>>)
      %dma_wait3A = arith.constant 0 : i32
      %dma_wait3A_10 = tpu.memref_slice %arg5[%mul3A_2, %dma_wait3A] : memref<4096x48xf32, #tpu.memory_space<hbm>> -> memref<128x48xf32, #tpu.memory_space<hbm>>
      %dma_wait3A_11 = arith.constant 0 : i32
      %dma_wait3A_12 = tpu.memref_slice %arg5[%mul3A_2, %dma_wait3A_11] : memref<4096x48xf32, #tpu.memory_space<hbm>> -> memref<128x48xf32, #tpu.memory_space<hbm>>
      tpu.wait_dma2 semaphore(%run_scoped3A : memref<!tpu.dma_semaphore, #tpu.memory_space<semaphore_mem>>) src(%arg9 : memref<128x48xf32, #tpu.memory_space<vmem>>) dst(%dma_wait3A_12 : memref<128x48xf32, #tpu.memory_space<hbm>>)
      tpu.yield
    }) : () -> ()
    return
  }
}

</mosaic_0001>

<sc_bundles>
// kernel: _sc_stats.3.cloned.1.call-start
scs
__scs_entry_jumppad:
0x0: {  	(pc) =	sbr.rel $0x88, $3  }
0x1: {  	(tag) =	ssettag $0x0;
	lr =	simm.s32 $0x1  }
0x2: {  	[smem:$0x3F9E] =	sst lr;
	_ =	strace $0xD0000000  }
0x3: {  	_ = 	snop  }
0x4: {  	_ = 	snop  }
0x5: {  	_ = 	snop  }
0x6: {  	_ = 	snop  }
0x7: {  	_ = 	snop  }
__scs_overlays_trampoline_lowered:
0x8: {  	[smem:$0x3FAD] =	sst s0  }
0x9: {  	[smem:$0x3FAE] =	sst s1  }
0xa: {  	[smem:$0x3FAF] =	sst s2  }
0xb: {  	[smem:$0x3FB0] =	sst s3  }
0xc: {  	[smem:$0x3FB1] =	sst s4  }
0xd: {  	[smem:$0x3FB2] =	sst s5  }
0xe: {  	[smem:$0x3FB3] =	sst s6  }
0xf: {  	[smem:$0x3FB4] =	sst s7  }
0x10: {  	[smem:$0x3FB5] =	sst s8  }
0x11: {  	[smem:$0x3FB6] =	sst s9;
	s0 =	simm.s32 @!p0 $0x0  }
0x12: {  	s1 =	sld [smem:$0x3F9C];
	s0 =	simm.s32 @p0 $0x1  }
0x13: {  	[smem:$0x3FB7] =	sst s0;
	s0 =	simm.s32 @!p1 $0x0  }
0x14: {  	s2 =	sld [smem:$0x3F9B];
	s0 =	simm.s32 @p1 $0x1  }
0x15: {  	[smem:$0x3FB8] =	sst s0;
	s0 =	simm.s32 @!p2 $0x0  }
0x16: {  	s3 =	sld [smem:$0x3FDB];
	s0 =	simm.s32 @p2 $0x1  }
0x17: {  	s4 =	simm.s32 $0x1BF5;
	[smem:$0x3FBA] =	sst s0  }
0x18: {  	s0 =	sld [smem:$0x3F9D];
	_ =	swait.ge [sflag:s4], $0x0  }
0x19: {  	s7 =	sld [smem:$0x3F9E]  }
0x1a: {  	s8 =	sadd.s32 $0xFFFFE003, lr  }
0x1b: {  	s9 =	sadd.s32 $0xFFFFFEF7, lr;
	s5 =	simm.s32 $0xFFFFFFFF;
	p2 =	slt.u32 s8, $0xFFFFF086  }
0x1c: {  	p1 =	slt.u32 s9, $0xF7A;
	s5 =	simm.s32 @!p2 $0x0  }
0x1d: {  	s5 =	simm.s32 @p1 $0x1;
	p0 =	seq.s32 s7, s2  }
0x1e: {  	s7 =	smul.u32 @!p0 $0xF7A, s2;
	p2 =	seq.s32 @!p0 s5, $0x0  }
0x1f: {  	s9 =	smul.u32 $0xF7A, s1;
	s8 =	simm.s32 @!p0 $0x1BF5;
	p2 =	por !p2, p0  }
0x20: {  	[sflag:s8] =	ssyncset.s32 @!p0 $0xFFFFF086;
	s6 =	sadd.s32 @!p0 s3, s7;
	s7 =	simm.s32 @!p0 $0x108  }
0x21: {  	s3 =	sadd.s32 s3, s9;
	s6 =	sadd.s32 @!p0 $0x88, s6;
	s7 =	simm.s32 @p2 $0x1082  }
0x22: {  	[simem:s7], [sflag:s8] =	dma.local @!p0 [hbm:s6], $0xF7A  }
0x23: {  	s9 =	sor.u32 $0xD0000000, s2;
	s6 =	simm.s32 $0x108;
	_ =	swait.ge @!p0 [sflag:s8], $0x0  }
0x24: {  	s3 =	sadd.s32 $0x88, s3;
	s6 =	simm.s32 @!p1 $0x1082;
	[sflag:s4] =	ssyncset.s32 $0xFFFFF086  }
0x25: {  	[simem:s6], [sflag:s4] =	dma.local [hbm:s3], $0xF7A  }
0x26: {  	[smem:$0x3F9E] =	sst s1;
	(tag) =	ssettag s2;
	_ =	strace s9  }
0x27: {  	s1 =	sld [smem:$0x3FAE]  }
0x28: {  	s2 =	sld [smem:$0x3FAF]  }
0x29: {  	s4 =	sld [smem:$0x3FB1]  }
0x2a: {  	p0 =	seq.s32 s5, $0x0;
	s5 =	sld [smem:$0x3FB2]  }
0x2b: {  	s6 =	sld [smem:$0x3FB3]  }
0x2c: {  	s7 =	sld [smem:$0x3FB4]  }
0x2d: {  	s3 =	simm.s32 $0x108;
	s8 =	sld [smem:$0x3FB5]  }
0x2e: {  	s3 =	simm.s32 @!p0 $0x1082;
	s9 =	sld [smem:$0x3FB6]  }
0x2f: {  	lr =	sadd.s32 s0, s3;
	s0 =	sld [smem:$0x3FAD]  }
0x30: {  	s3 =	sld [smem:$0x3FB0]  }
0x31: {  	[smem:$0x3FB9] =	sst s10  }
0x32: {  	s10 =	sld [smem:$0x3FB7];
	_ =	sdelay $0x3  }
0x33: {  	p0 =	seq.s32 s10, $0x1;
	s10 =	sld [smem:$0x3FB9];
	_ =	sdelay $0x3  }
0x34: {  	[smem:$0x3FB9] =	sst s10  }
0x35: {  	s10 =	sld [smem:$0x3FB8];
	_ =	sdelay $0x3  }
0x36: {  	p1 =	seq.s32 s10, $0x1;
	s10 =	sld [smem:$0x3FB9];
	_ =	sdelay $0x3  }
0x37: {  	[smem:$0x3FB9] =	sst s10  }
0x38: {  	s10 =	sld [smem:$0x3FBA]  }
0x39: {  	_ = 	snop;
	(pc) =	sbr.ind lr, $3  }
0x3a: {  	_ = 	snop  }
0x3b: {  	_ = 	snop  }
0x3c: {  	p2 =	seq.s32 s10, $0x1;
	s10 =	sld [smem:$0x3FB9]  }
0x3d: {  	_ =	shalt  }
0x3e: {  	_ =	shalt  }
0x3f: {  	_ =	shalt  }
0x40: {  	_ =	shalt  }
0x41: {  	_ =	shalt  }
0x42: {  	_ =	shalt  }
0x43: {  	_ =	shalt  }
0x44: {  	_ =	shalt  }
0x45: {  	_ =	shalt  }
0x46: {  	_ =	shalt  }
0x47: {  	_ =	shalt  }
0x48: {  	_ =	shalt  }
0x49: {  	_ =	shalt  }
0x4a: {  	_ =	shalt  }
0x4b: {  	_ =	shalt  }
0x4c: {  	_ =	shalt  }
0x4d: {  	_ =	shalt  }
0x4e: {  	_ =	shalt  }
0x4f: {  	_ =	shalt  }
0x50: {  	_ =	shalt  }
0x51: {  	_ =	shalt  }
0x52: {  	_ =	shalt  }
0x53: {  	_ =	shalt  }
0x54: {  	_ =	shalt  }
0x55: {  	_ =	shalt  }
0x56: {  	_ =	shalt  }
0x57: {  	_ =	shalt  }
0x58: {  	_ =	shalt  }
0x59: {  	_ =	shalt  }
0x5a: {  	_ =	shalt  }
0x5b: {  	_ =	shalt  }
0x5c: {  	_ =	shalt  }
0x5d: {  	_ =	shalt  }
0x5e: {  	_ =	shalt  }
0x5f: {  	_ =	shalt  }
0x60: {  	_ =	shalt  }
0x61: {  	_ =	shalt  }
0x62: {  	_ =	shalt  }
0x63: {  	_ =	shalt  }
0x64: {  	_ =	shalt  }
0x65: {  	_ =	shalt  }
0x66: {  	_ =	shalt  }
0x67: {  	_ =	shalt  }
0x68: {  	_ =	shalt  }
0x69: {  	_ =	shalt  }
0x6a: {  	_ =	shalt  }
0x6b: {  	_ =	shalt  }
0x6c: {  	_ =	shalt  }
0x6d: {  	_ =	shalt  }
0x6e: {  	_ =	shalt  }
0x6f: {  	_ =	shalt  }
0x70: {  	_ =	shalt  }
0x71: {  	_ =	shalt  }
0x72: {  	_ =	shalt  }
0x73: {  	_ =	shalt  }
0x74: {  	_ =	shalt  }
0x75: {  	_ =	shalt  }
0x76: {  	_ =	shalt  }
0x77: {  	_ =	shalt  }
0x78: {  	_ =	shalt  }
0x79: {  	_ =	shalt  }
0x7a: {  	_ =	shalt  }
0x7b: {  	_ =	shalt  }
0x7c: {  	_ =	shalt  }
0x7d: {  	_ =	shalt  }
0x7e: {  	_ =	shalt  }
0x7f: {  	_ =	shalt  }
0x80: {  	_ =	shalt  }
0x81: {  	_ =	shalt  }
0x82: {  	_ =	shalt  }
0x83: {  	_ =	shalt  }
0x84: {  	_ =	shalt  }
0x85: {  	_ =	shalt  }
0x86: {  	_ =	shalt  }
0x87: {  	_ =	shalt  }
.Lfunc_end0:
.L_simem_size_0:
called_computation_lowered:
.L_overlay_start_0:
0x88: {  	s2 =	sld [smem:$0x3FD9]  }
0x89: {  	s3 =	sld [smem:$0x3FFE];
	_ =	sdelay $0x1  }
0x8a: {  	s1 =	srdreg.scid  }
0x8b: {  	s0 =	sand.u32 $0x1, s1  }
0x8c: {  	s17 =	sshll.u32 s0, $0xA;
	s2 =	sadd.s32 s3, s2  }
0x8d: {  	s2 =	sadd.s32 s2, s17  }
0x8e: {  	[smem:$0x3FC5] =	sst s2  }
0x8f: {  	_ = 	snop  }
0x90: {  	s2 =	sld [smem:$0x3FC9]  }
0x91: {  	s18 =	sld [smem:$0x3FC7]  }
0x92: {  	s4 =	sld [smem:$0x3FD0];
	(tm) =	ssettm $0x1  }
0x93: {  	s5 =	sld [smem:$0x3FFB];
	_ =	sdelay $0x3  }
0x94: {  	_ =	strace s5  }
0x95: {  	s5 =	sld [smem:$0x3FFC];
	_ =	sdelay $0x3  }
0x96: {  	_ =	strace s5  }
0x97: {  	s5 =	sld [smem:$0x3FFD];
	_ =	sdelay $0x3  }
0x98: {  	_ =	strace s5  }
0x99: {  	_ =	strace $0x8FFFFFFF  }
0x9a: {  	s19 =	sld [smem:$0x3FDB];
	_ =	sdelay $0x1  }
0x9b: {  	s6 =	simm.s32 $_scs_section_size  }
0x9c: {  	s7 =	simm.s32 $_size__tile_overlayer_lowered;
	s8 =	simm.s32 $_tile_overlayer_lowered  }
0x9d: {  	s22 =	simm.s32 $0x1BFF;
	s21 =	sshll.u32 s8, $0x1;
	s5 =	sadd.s32 s6, s19  }
0x9e: {  	s9 =	simm.s32 $0x0;
	s20 =	sshll.u32 s7, $0x1;
	s7 =	sadd.s32 s21, s5  }
0x9f: {  	[timem:s9], [sflag:s22] =	dma.local [hbm:s7], s20  }
0xa0: {  	_ =	swait.ge [sflag:s22], s20  }
0xa1: {  	s6 =	ssub.s32 $0x0, s20;
	[sflag:s22] =	ssyncset.done $0x0  }
0xa2: {  	[sflag:s22] =	ssyncadd.s32 s6;
	_ =	sdelay $0x1  }
0xa3: {  	s23 =	simm.s32 $0x1B8B  }
0xa4: {  	_ =	swait.ge [sflag:s23], $0x1  }
0xa5: {  	[sflag:s23] =	ssyncset.done $0x0  }
0xa6: {  	s25 =	simm.s32 $0x1B8E;
	s24 =	sld [smem:$0x3FFE];
	[sflag:s23] =	ssyncadd.s32 $0xFFFFFFFF  }
0xa7: {  	s26 =	simm.s32 $execute0_lowered;
	[smem:$0x3FD2] =	sst s25  }
0xa8: {  	s7 =	sshll.u32 s26, $0x1;
	_ =	strace $0x80000046;
	[dreg:$0x1] =	wrdreg $0xFFFFFFFF  }
0xa9: {  	s28 =	simm.s32 $_size_execute0_lowered;
	s5 =	sadd.s32 s5, s7;
	[dreg:$0x0] =	wrdreg $0x0  }
0xaa: {  	s7 =	sshll.u32 s28, $0x1;
	[dreg:$0x2] =	wrdreg s5  }
0xab: {  	[dreg:$0x3] =	wrdreg s7  }
0xac: {  	[dreg:$0x4] =	wrdreg $0xC0  }
0xad: {  	_ =	task [dreg:s9], $0x5FFFF  }
0xae: {  	[dreg:$0x1] =	wrdreg $0xFFFFFFFF  }
0xaf: {  	[dreg:$0x0] =	wrdreg $0x60  }
0xb0: {  	[dreg:$0x2] =	wrdreg s2  }
0xb1: {  	[dreg:$0x3] =	wrdreg s24  }
0xb2: {  	[dreg:$0x4] =	wrdreg s18  }
0xb3: {  	[dreg:$0x5] =	wrdreg s4  }
0xb4: {  	[dreg:$0x6] =	wrdreg $0x9  }
0xb5: {  	_ =	task.clear_ibuf [dreg:s9], $0x7FFFF;
	_ =	strace $0x90000046  }
0xb6: {  	s29 =	simm.s32 $0x9;
	_ =	strace $0x80000048  }
0xb7: {  	_ =	swait.ge [sflag:s29], $0x1  }
0xb8: {  	[sflag:s29] =	ssyncadd.s32 $0xFFFFFFFF  }
0xb9: {  	_ =	strace $0x90000048  }
0xba: {  	_ =	sfence  }
0xbb: {  	s30 =	sld [smem:$0x0];
	_ =	sdelay $0x2  }
0xbc: {  	s31 =	sshll.u32 s1, $0xD;
	s1 =	sshrl.u32 s1, $0x2  }
0xbd: {  	s3 =	sand.u32 $0x4000, s31;
	s1 =	sadd.s32 s1, s30  }
0xbe: {  	s0 =	sor.u32 s3, s0;
	s1 =	sshll.u32 s1, $0x11  }
0xbf: {  	s0 =	sor.u32 s1, s0  }
0xc0: {  	s0 =	sadd.s32 $0x8F2B, s0  }
0xc1: {  	[sflag:s0] =	ssyncadd.remote.s32 $0x1  }
0xc2: {  	_ =	sfence.sel $0xFFFF  }
0xc3: {  	[dreg:$0x0] =	wrdreg $0xFFFFFFFF;
	(pc) =	sbr.abs _section_cstart, $3  }
0xc4: {  	[dreg:$0x1] =	wrdreg $0xFFFFFFFF  }
0xc5: {  	_ =	task.clear_ibuf [dreg:s9], $0x2FFFF;
	_ =	strace $0x9FFFFFFF  }
0xc6: {  	(tm) =	ssettm $0x7FFFFFFF  }
0xc7: {  	_ =	shalt  }
tec
execute0_lowered:
.L_overlay_start_1:
0x0: {  	(tag) =	ssettag $0x1  }
0x1: {  	s1 =	rddreg [dreg:$0x0]  }
0x2: {  	s4 =	rddreg [dreg:$0x1]  }
0x3: {  	s5 =	rddreg [dreg:$0x2]  }
0x4: {  	s6 =	rddreg [dreg:$0x3]  }
0x5: {  	s0 =	rddreg [dreg:$0x4];
	s7 =	srdreg.scid;
	s3 =	simm.s32 $0x0  }
0x6: {  	s2 =	stileid.u32;
	s11 =	simm.s32 $0x80;
	s12 =	simm.s32 $0x110  }
0x7: {  	s13 =	simm.s32 $0x910;
	s14 =	simm.s32 $0x0;
	s7 =	sand.u32 $0x1, s7  }
0x8: {  	[smem:$0x7FF] =	sst s3;
	s8 =	sshll.u32 s2, $0x8;
	s4 =	sadd.s32 $0x186E00, s4  }
.Ltmp0:
0x9: {  	s9 =	sshll.u32 s7, $0x7;
	s7 =	ssub.s32 $0x2, s7;
	(pc) =	sbr.rel .LBB2_1-.Ltmp0, $4  }
0xa: {  	_ =	strace $0x80000047;
	s8 =	sor.u32 s9, s8;
	s31 =	sshrl.u32 s7, $0x1  }
0xb: {  	s10 =	sshrl.u32 s8, $0x3;
	s8 =	smul.u32 $0x6, s8;
	s7 =	ssub.s32 s7, s31  }
0xc: {  	s9 =	simm.s32 $0x1;
	s5 =	sadd.s32 s5, s10;
	s7 =	smax.u32 s7, $0x1  }
0xd: {  	s10 =	simm.s32 $0x90;
	s6 =	sadd.s32 s6, s8;
	s8 =	simm.s32 $0x2  }
.LBB2_11:
0xe: {  	s14 =	sadd.s32 $0x1, s14  }
0xf: {  	p0 =	sne.s32 s14, s7  }
.Ltmp1:
0x10: {  	_ = 	snop;
	(pc) =	sbr.rel @!p0 .LBB2_12-.Ltmp1, $4  }
0x11: {  	[hbm4b:s6+s3] =	stream.linear.scatter [tilespmem:s13], [sflag:$0x2], $0x1800, $0x38;
	[tilespmem:$0x2110] =	vst v63  }
0x12: {  	_ =	swait.ge [sflag:s8], $0x1800  }
0x13: {  	[sflag:s8] =	ssyncset.done $0x0  }
0x14: {  	[sflag:s8] =	ssyncadd.s32 $0xFFFFE800  }
.LBB2_1:
.Ltmp2:
0x15: {  	(pc) =	sbr.rel .LBB2_2-.Ltmp2, $4  }
0x16: {  	[tilespmem:s3], [sflag:$0x2] =	stream.linear.gather [hbm4b:s5+s3], $0x90, $0x38;
	[tilespmem:$0x2110] =	vst v63  }
0x17: {  	_ =	swait.ge [sflag:s8], $0x90  }
0x18: {  	[sflag:s8] =	ssyncset.done $0x0  }
0x19: {  	s15 =	simm.s32 $0x0;
	[sflag:s8] =	ssyncadd.s32 $0xFFFFFF70  }
.LBB2_3:
0x1a: {  	v0 =	vimm.f32 $-3.000000010e+38;
	v1 =	vimm.f32 $3.000000010e+38;
	v2 =	vimm.f32 $0.0e+00  }
.LBB2_10:
0x1b: {  	s16 =	smul.u32 $0xC0, s15;
	s15 =	sadd.s32 $0x1, s15  }
0x1c: {  	p0 =	sne.s32 s15, $0x80  }
.Ltmp3:
0x1d: {  	_ = 	snop;
	(pc) =	sbr.rel @!p0 .LBB2_11-.Ltmp3, $4  }
0x1e: {  	s16 =	sshra.s32 s16, $0x2  }
0x1f: {  	[tilespmem:s16+$0x910] =	vst v2  }
0x20: {  	[tilespmem:s16+$0x920] =	vst v1  }
0x21: {  	[tilespmem:s16+$0x930] =	vst v0  }
.LBB2_2:
0x22: {  	v0 =	vld [tilespmem:s15+$0x0];
	_ =	sdelay $0x4  }
0x23: {  	(v2sf) =	vpush v0, $0x0;
	_ =	sdelay $0x6  }
0x24: {  	(v2sf) =	vpush v0, $0x1;
	_ =	sdelay $0x7  }
0x25: {  	s16 =	spop (v2sf)  }
0x26: {  	s17 =	sand.u32 $0x7, s16  }
0x27: {  	s18 =	sshra.s32 s16, $0x1F;
	p0 =	slt.s32 s16, $0x1;
	p1 =	sne.s32 s17, $0x0  }
0x28: {  	s30 =	sshrl.u32 s18, $0x1D;
	p0 =	por !p0, !p1  }
0x29: {  	s18 =	simm.s32 $0x1;
	s17 =	sadd.s32 s30, s16;
	p0 =	por !p0, !p0  }
0x2a: {  	s17 =	sshrl.u32 s17, $0x3;
	s18 =	simm.s32 @!p0 $0x0  }
0x2b: {  	s18 =	ssub.s32 s17, s18  }
0x2c: {  	s17 =	spop (v2sf);
	s18 =	sshll.u32 s18, $0x3  }
0x2d: {  	s19 =	ssub.s32 s17, s18  }
0x2e: {  	s19 =	sadd.s32 $0x7F, s19  }
0x2f: {  	s20 =	sand.u32 $0x7F, s19  }
0x30: {  	s31 =	sshra.s32 s19, $0x1F;
	p6 =	slt.s32 s19, $0x1;
	p5 =	sne.s32 s20, $0x0  }
0x31: {  	s20 =	sshrl.u32 s31, $0x19;
	p0 =	por !p6, !p5  }
0x32: {  	s19 =	sadd.s32 s20, s19;
	s20 =	simm.s32 $0x1;
	p0 =	por !p0, !p0  }
0x33: {  	s19 =	sshra.s32 s19, $0x7;
	s20 =	simm.s32 @!p0 $0x0  }
0x34: {  	s19 =	ssub.s32 s19, s20  }
0x35: {  	p0 =	slt.s32 s19, $0x1  }
.Ltmp4:
0x36: {  	_ = 	snop;
	(pc) =	sbr.rel @p0 .LBB2_3-.Ltmp4, $1  }
0x37: {  	_ =	sdelay $0x3  }
.Ltmp5:
0x38: {  	(pc) =	sbr.rel .LBB2_5-.Ltmp5, $2  }
0x39: {  	_ =	sdelay $0x2  }
0x3a: {  	s20 =	ssub.s32 s16, s18;
	s21 =	simm.s32 $0x0;
	v2 =	vimm.f32 $0.0e+00;
	v1 =	vimm.f32 $3.000000010e+38;
	v0 =	vimm.f32 $-3.000000010e+38  }
.LBB2_8:
0x3b: {  	_ = 	snop  }
0x3c: {  	v1 =	vmin.f32 v1, v3;
	v0 =	vmax.f32 v0, v3;
	v2 =	vadd.f32 v3, v2  }
.LBB2_9:
0x3d: {  	s21 =	sadd.s32 $0x1, s21  }
0x3e: {  	p0 =	sne.s32 s21, s19  }
.Ltmp6:
0x3f: {  	_ = 	snop;
	(pc) =	sbr.rel @!p0 .LBB2_10-.Ltmp6, $2  }
0x40: {  	_ =	sdelay $0x2  }
0x41: {  	s20 =	sadd.s32 $0xFFFFFF80, s20  }
.LBB2_5:
0x42: {  	s22 =	sshll.u32 s21, $0x7  }
0x43: {  	s22 =	sadd.s32 s18, s22  }
0x44: {  	s23 =	sshrl.u32 s22, $0x3  }
0x45: {  	s23 =	sadd.s32 s1, s23  }
0x46: {  	[tilespmem:s10], [sflag:$0x2] =	stream.linear.gather [hbm4b:s23+s3], $0x80, $0x38;
	[tilespmem:$0x2110] =	vst v63  }
0x47: {  	s23 =	ssub.s32 s16, s22;
	s22 =	ssub.s32 s17, s22  }
0x48: {  	p0 =	sgt.s32 s23, $0x0;
	p1 =	slt.s32 s22, $0x80  }
0x49: {  	_ =	swait.ge [sflag:s8], $0x80;
	s23 =	simm.s32 @!p0 $0x0;
	s22 =	simm.s32 @!p1 $0x80  }
0x4a: {  	[sflag:s8] =	ssyncset.done $0x0;
	p0 =	sge.s32 s23, s22  }
.Ltmp7:
0x4b: {  	[sflag:s8] =	ssyncadd.s32 $0xFFFFFF80;
	(pc) =	sbr.rel @p0 .LBB2_9-.Ltmp7, $4  }
0x4c: {  	[tilespmem:s12], [sflag:$0x1] =	stream.indirect.gather [hbm4b:s4+s11], $0x10, s10, s11, $0xb8;
	[tilespmem:$0x2110] =	vst v63  }
0x4d: {  	_ =	swait.ge [sflag:s9], $0x800  }
0x4e: {  	[sflag:s9] =	ssyncset.done $0x0  }
0x4f: {  	[sflag:s9] =	ssyncadd.s32 $0xFFFFF800  }
0x50: {  	p0 =	sgt.s32 s20, $0x0;
	s24 =	smov.u32 s20  }
0x51: {  	s24 =	simm.s32 @!p0 $0x0  }
0x52: {  	s23 =	sadd.s32 $0x1, s23;
	s24 =	sshll.u32 s24, $0x6  }
0x53: {  	p0 =	slt.s32 s23, s22;
	s24 =	sshra.s32 s24, $0x2  }
.Ltmp8:
0x54: {  	s24 =	sadd.s32 $0x110, s24;
	(pc) =	sbr.rel @!p0 .LBB2_8-.Ltmp8, $1  }
0x55: {  	v3 =	vld [tilespmem:s24+$0x0];
	_ =	sdelay $0x3  }
.LBB2_7:
0x56: {  	s23 =	sadd.s32 $0x1, s23  }
0x57: {  	p0 =	slt.s32 s23, s22  }
.Ltmp9:
0x58: {  	_ = 	snop;
	(pc) =	sbr.rel @p0 .LBB2_7-.Ltmp9, $3  }
0x59: {  	_ =	sdelay $0x1  }
0x5a: {  	v2 =	vadd.f32 v3, v2;
	v1 =	vmin.f32 v1, v3;
	v0 =	vmax.f32 v0, v3;
	s24 =	sadd.s32 $0x10, s24  }
0x5b: {  	v3 =	vld [tilespmem:s24+$0x0]  }
.Ltmp10:
0x5c: {  	_ = 	snop;
	(pc) =	sbr.rel .LBB2_8-.Ltmp10, $1  }
0x5d: {  	_ =	sdelay $0x3  }
.LBB2_12:
0x5e: {  	_ =	sfence.sel $0x180000  }
0x5f: {  	[bflag:$0x0] =	sbarrier.arrive $0xFFFF  }
0x60: {  	p0 =	sne.s32 s2, $0x0;
	_ =	strace $0x90000047  }
0x61: {  	s0 =	sadd.s32 @!p0 $0x100000, s0;
	[bflag:$0x2] =	sbarrier.arrive $0xFFFF  }
0x62: {  	[sflag:s0] =	ssyncadd.tile.s32 @!p0 $0x1;
	_ =	shalt  }
.Lfunc_end2:
_tile_overlayer_lowered:
.L_overlay_start_2:
0x63: {  	(tag) =	ssettag $0x2  }
0x64: {  	s0 =	rddreg [dreg:$0x0];
	s2 =	stileid.u32  }
0x65: {  	s1 =	rddreg [dreg:$0x1];
	p0 =	sne.s32 s2, $0x0  }
0x66: {  	s3 =	rddreg [dreg:$0x2];
	[bflag:$0x3] =	sbarrier.arrive $0xFFFF;
	s2 =	simm.s32 @!p0 $0x1C02  }
0x67: {  	[timem:s3], [sflag:s2] =	dma.local @!p0 [hbm:s0], s1  }
0x68: {  	s0 =	simm.s32 @!p0 $0x2  }
0x69: {  	_ =	swait.ge @!p0 [sflag:s0], s1  }
0x6a: {  	s1 =	ssub.s32 @!p0 $0x0, s1;
	[sflag:s0] =	ssyncset.done @!p0 $0x0  }
0x6b: {  	[sflag:s0] =	ssyncadd.s32 @!p0 s1  }
0x6c: {  	[bflag:$0x3] =	sbarrier.arrive $0xFFFF  }
0x6d: {  	_ =	shalt  }

</sc_bundles>
